<compile_context>
chip_gen: v7x
topology: tpu7x:2x2x1
jax: 0.10.2.dev20260603
libtpu: 0.0.44.dev20260713+nightly
codegen_flags: <defaults>
</compile_context>

<pallas_src>
import functools

import jax
import jax.numpy as jnp
from jax import lax
from jax.experimental import pallas as pl
from jax.experimental.pallas import tpu as pltpu
from jax.experimental.pallas import tpu_sc as plsc

_BETA = 0.8
_LAMBDA_P = 1.0
_LAMBDA_N = 0.1

_IMGS = 16
_ROWS = 512
_COLS = 512
_IMG_ELEMS = _ROWS * _COLS
_N_TOTAL = _IMGS * _IMG_ELEMS

_SC_IMGS = 0
_NC = 2
_NS = 16
_L = 16
_NW = _NC * _NS
_SC_ROWS = _SC_IMGS * _ROWS
_ROWS_PER_W = _SC_ROWS // _NW
_RCHUNK = 16
_N_RCHUNKS = _ROWS_PER_W // _RCHUNK
_UNROLL = 8


def _sc_body(r_hbm, lab_hbm, out_hbm, rbuf, labbuf, part):
    wid = lax.axis_index("s") * _NC + lax.axis_index("c")
    row0 = wid * _ROWS_PER_W

    zero = jnp.zeros((_L,), jnp.float32)
    acc = (zero, zero, zero, zero, zero)

    def body(i, carry):
        n_p, s_p, ss_p, s_a, ss_a = carry
        for u in range(_UNROLL):
            c = pl.multiple_of(i * (_L * _UNROLL) + u * _L, _L)
            row = c // _COLS
            col = c % _COLS
            r = rbuf[row, pl.ds(col, _L)]
            lb = labbuf[row, pl.ds(col, _L)]
            m = lb != 0
            r2 = r * r
            n_p = n_p + jnp.where(m, 1.0, 0.0)
            s_p = s_p + jnp.where(m, r, 0.0)
            ss_p = ss_p + jnp.where(m, r2, 0.0)
            s_a = s_a + r
            ss_a = ss_a + r2
        return (n_p, s_p, ss_p, s_a, ss_a)

    def chunk(g, carry):
        gr = row0 + g * _RCHUNK
        img = gr // _ROWS
        rr = gr % _ROWS
        pltpu.sync_copy(r_hbm.at[img, 0, pl.ds(rr, _RCHUNK), :], rbuf)
        pltpu.sync_copy(lab_hbm.at[img, 0, pl.ds(rr, _RCHUNK), :], labbuf)
        return lax.fori_loop(0, _RCHUNK * _COLS // (_L * _UNROLL), body, carry)


    part[...] = jnp.zeros((8 * _L,), jnp.float32)
    for j, v in enumerate(acc):
        part[pl.ds(j * _L, _L)] = v
    pltpu.sync_copy(part, out_hbm.at[wid])


_sc_reduce = pl.kernel(
    _sc_body,
    out_type=jax.ShapeDtypeStruct((_NW, 8 * _L), jnp.float32),
    mesh=plsc.VectorSubcoreMesh(core_axis_name="c", subcore_axis_name="s"),
    scratch_types=[
        pltpu.VMEM((_RCHUNK, _COLS), jnp.float32),
        pltpu.VMEM((_RCHUNK, _COLS), jnp.int32),
        pltpu.VMEM((8 * _L,), jnp.float32),
    ],
    compiler_params=pltpu.CompilerParams(use_tc_tiling_on_sc=True, skip_device_barrier=True),
)


_TC_IMGS = _IMGS - _SC_IMGS
_TC_BLK = 2


def _tc_body(r_ref, lab_ref, acc_ref):
    r = r_ref[...].reshape(_TC_BLK * _ROWS, _COLS)
    lab = lab_ref[...].reshape(_TC_BLK * _ROWS, _COLS)
    p = (lab != 0).astype(jnp.float32)
    rp = r * p
    r2 = r * r
    r2p = r2 * p
    blk = jnp.concatenate(
        [
            jnp.sum(p, axis=0, keepdims=True),
            jnp.sum(rp, axis=0, keepdims=True),
            jnp.sum(r2p, axis=0, keepdims=True),
            jnp.sum(r, axis=0, keepdims=True),
            jnp.sum(r2, axis=0, keepdims=True),
        ],
        axis=0,
    )

    @pl.when(pl.program_id(0) == 0)
    def _init():
        acc_ref[...] = blk

    @pl.when(pl.program_id(0) != 0)
    def _accum():
        acc_ref[...] = acc_ref[...] + blk


_tc_reduce = pl.pallas_call(
    _tc_body,
    grid=(_TC_IMGS // _TC_BLK,),
    in_specs=[
        pl.BlockSpec(
            (_TC_BLK, 1, _ROWS, _COLS),
            lambda i: (_SC_IMGS // _TC_BLK + i, 0, 0, 0),
        ),
        pl.BlockSpec(
            (_TC_BLK, 1, _ROWS, _COLS),
            lambda i: (_SC_IMGS // _TC_BLK + i, 0, 0, 0),
        ),
    ],
    out_specs=pl.BlockSpec((5, _COLS), lambda i: (0, 0)),
    out_shape=jax.ShapeDtypeStruct((5, _COLS), jnp.float32),
)


def _fin_body(psc_ref, ptc_ref, o_ref):
    psc = psc_ref[...]
    ptc = ptc_ref[...]
    n = jnp.float32(_N_TOTAL)
    n_p = jnp.sum(psc[:, 0 * _L:1 * _L]) + jnp.sum(ptc[0:1, :])
    s_p = jnp.sum(psc[:, 1 * _L:2 * _L]) + jnp.sum(ptc[1:2, :])
    ss_p = jnp.sum(psc[:, 2 * _L:3 * _L]) + jnp.sum(ptc[2:3, :])
    s_a = jnp.sum(psc[:, 3 * _L:4 * _L]) + jnp.sum(ptc[3:4, :])
    ss_a = jnp.sum(psc[:, 4 * _L:5 * _L]) + jnp.sum(ptc[4:5, :])

    n_n = n - n_p
    s_n = s_a - s_p
    ss_n = ss_a - ss_p

    mean_p = s_p / n_p
    var_p = (ss_p - s_p * mean_p) / (n_p - 1.0)
    mean_n = s_n / n_n
    var_n = (ss_n - s_n * (s_n / n_n)) / (n_n - 1.0)

    loss = jnp.maximum(_BETA - mean_p, 0.0)
    loss = loss + _LAMBDA_N * var_p
    loss = loss + mean_n
    loss = loss + _LAMBDA_P * var_n
    o_ref[0] = loss


_finish = pl.pallas_call(
    _fin_body,
    out_shape=jax.ShapeDtypeStruct((1,), jnp.float32),
    in_specs=[
        pl.BlockSpec(memory_space=pltpu.VMEM),
        pl.BlockSpec(memory_space=pltpu.VMEM),
    ],
    out_specs=pl.BlockSpec(memory_space=pltpu.SMEM),
)


def kernel(residues, pixel_level_labels):
    p_sc = _sc_reduce(residues, pixel_level_labels)
    p_tc = _tc_reduce(residues, pixel_level_labels)
    return _finish(p_sc, p_tc)

# --- scband reference (transcript-rebuilt; emitter-appended) ---
"""Pipeline reference for scband-ttest-loss-v3-66846870995158 (READ-ONLY COPY).

The authoritative reference and input builder live on the scoring server;
editing this copy changes nothing except your own understanding.
"""

import jax, jax.numpy as jnp
import numpy as np

BETA = 0.8
LAMBDA_P = 1.0
LAMBDA_N = 0.1


def setup_inputs(seed: int = 0) -> dict:
    key = jax.random.key(seed)
    k1, k2 = jax.random.split(key)
    residues = jax.random.normal(k1, (16, 1, 512, 512), dtype=jnp.float32)
    pixel_level_labels = jax.random.randint(k2, (16, 1, 512, 512), 0, 2, dtype=jnp.int32)
    return {"residues": residues, "pixel_level_labels": pixel_level_labels}


def reference(residues, pixel_level_labels):
    # Flatten, split into positive/negative pixel populations via label mask,
    # compute means and unbiased variances (torch .mean()/.var() semantics).
    r = residues.reshape(-1)
    lab = pixel_level_labels.reshape(-1)
    pos = (lab != 0).astype(jnp.float32)
    neg = 1.0 - pos

    n_p = jnp.sum(pos)
    n_n = jnp.sum(neg)

    mean_p = jnp.sum(r * pos) / n_p
    var_p = jnp.sum(pos * (r - mean_p) ** 2) / (n_p - 1.0)  # unbiased, matches torch.var()

    mean_n = jnp.sum(r * neg) / n_n
    var_n = jnp.sum(neg * (r - mean_n) ** 2) / (n_n - 1.0)

    loss = jnp.maximum(BETA - mean_p, 0.0)
    loss = loss + LAMBDA_N * var_p  # note: code applies lambda_n to positive variance
    loss = loss + mean_n
    loss = loss + LAMBDA_P * var_n  # and lambda_p to negative variance (faithful to source)
    return loss.reshape(1)

if __name__ == "__main__":
    import jax
    _d = setup_inputs()
    print(jax.jit(kernel)(*tuple(_d.values())))

</pallas_src>

<mosaic_0001>
#map = affine_map<(d0, d1) -> (0, 0, 0, 0)>
#map1 = affine_map<(d0, d1) -> (0, 0)>
module attributes {stable_mosaic.version = 14 : i64} {
  func.func @_sc_body(%arg0: i32, %arg1: i32, %arg2: memref<16x1x512x512xf32, #tpu.memory_space<hbm>>, %arg3: memref<16x1x512x512xi32, #tpu.memory_space<hbm>>, %arg4: memref<32x128xf32, #tpu.memory_space<hbm>>, %arg5: memref<16x512xf32, #tpu.memory_space<vmem>>, %arg6: memref<16x512xi32, #tpu.memory_space<vmem>>, %arg7: memref<128xf32, #tpu.memory_space<vmem>>) attributes {dimension_semantics = [#tpu.dimension_semantics<core_parallel>, #tpu.dimension_semantics<subcore_parallel>], iteration_bounds = array<i64: 2, 16>, scalar_prefetch = 0 : i64, scratch_operands = 3 : i64, tpu.core_type = #tpu.core_type<sc_vector_subcore>, window_params = [{transform_indices = #map}, {transform_indices = #map}, {transform_indices = #map1}]} {
    %mul3A = arith.constant 2 : i32
    %mul3A_0 = arith.muli %arg1, %mul3A : i32
    %add3A = arith.addi %mul3A_0, %arg0 : i32
    %mul3A_1 = arith.constant 0 : i32
    %mul3A_2 = arith.muli %add3A, %mul3A_1 : i32
    %broadcast_in_dim3A = arith.constant 0.000000e+00 : f32
    %broadcast_in_dim3A_3 = vector.broadcast %broadcast_in_dim3A : f32 to vector<16xf32>
    %broadcast_in_dim3A_4 = arith.constant 0.000000e+00 : f32
    %broadcast_in_dim3A_5 = vector.broadcast %broadcast_in_dim3A_4 : f32 to vector<128xf32>
    %swap3A = arith.constant 0 : index
    %swap3A_6 = tpu.vector_load %arg7[%swap3A] {strides = array<i32>} : memref<128xf32, #tpu.memory_space<vmem>>, vector<128xf32>,
    %swap3A_7 = vector.shape_cast %swap3A_6 : vector<128xf32> to vector<128xf32>
    %swap3A_8 = vector.shape_cast %broadcast_in_dim3A_5 : vector<128xf32> to vector<128xf32>
    tpu.vector_store %arg7[%swap3A], %swap3A_8 {strides = array<i32>} : memref<128xf32, #tpu.memory_space<vmem>>, vector<128xf32>,
    %swap3A_9 = arith.constant 0 : index
    %swap3A_10 = tpu.vector_load %arg7[%swap3A_9] {strides = array<i32>} : memref<128xf32, #tpu.memory_space<vmem>>, vector<16xf32>,
    %swap3A_11 = vector.shape_cast %swap3A_10 : vector<16xf32> to vector<16xf32>
    %swap3A_12 = vector.shape_cast %broadcast_in_dim3A_3 : vector<16xf32> to vector<16xf32>
    tpu.vector_store %arg7[%swap3A_9], %swap3A_12 {strides = array<i32>} : memref<128xf32, #tpu.memory_space<vmem>>, vector<16xf32>,
    %swap3A_13 = arith.constant 16 : index
    %swap3A_14 = tpu.vector_load %arg7[%swap3A_13] {strides = array<i32>} : memref<128xf32, #tpu.memory_space<vmem>>, vector<16xf32>,
    %swap3A_15 = vector.shape_cast %swap3A_14 : vector<16xf32> to vector<16xf32>
    %swap3A_16 = vector.shape_cast %broadcast_in_dim3A_3 : vector<16xf32> to vector<16xf32>
    tpu.vector_store %arg7[%swap3A_13], %swap3A_16 {strides = array<i32>} : memref<128xf32, #tpu.memory_space<vmem>>, vector<16xf32>,
    %swap3A_17 = arith.constant 32 : index
    %swap3A_18 = tpu.vector_load %arg7[%swap3A_17] {strides = array<i32>} : memref<128xf32, #tpu.memory_space<vmem>>, vector<16xf32>,
    %swap3A_19 = vector.shape_cast %swap3A_18 : vector<16xf32> to vector<16xf32>
    %swap3A_20 = vector.shape_cast %broadcast_in_dim3A_3 : vector<16xf32> to vector<16xf32>
    tpu.vector_store %arg7[%swap3A_17], %swap3A_20 {strides = array<i32>} : memref<128xf32, #tpu.memory_space<vmem>>, vector<16xf32>,
    %swap3A_21 = arith.constant 48 : index
    %swap3A_22 = tpu.vector_load %arg7[%swap3A_21] {strides = array<i32>} : memref<128xf32, #tpu.memory_space<vmem>>, vector<16xf32>,
    %swap3A_23 = vector.shape_cast %swap3A_22 : vector<16xf32> to vector<16xf32>
    %swap3A_24 = vector.shape_cast %broadcast_in_dim3A_3 : vector<16xf32> to vector<16xf32>
    tpu.vector_store %arg7[%swap3A_21], %swap3A_24 {strides = array<i32>} : memref<128xf32, #tpu.memory_space<vmem>>, vector<16xf32>,
    %swap3A_25 = arith.constant 64 : index
    %swap3A_26 = tpu.vector_load %arg7[%swap3A_25] {strides = array<i32>} : memref<128xf32, #tpu.memory_space<vmem>>, vector<16xf32>,
    %swap3A_27 = vector.shape_cast %swap3A_26 : vector<16xf32> to vector<16xf32>
    %swap3A_28 = vector.shape_cast %broadcast_in_dim3A_3 : vector<16xf32> to vector<16xf32>
    tpu.vector_store %arg7[%swap3A_25], %swap3A_28 {strides = array<i32>} : memref<128xf32, #tpu.memory_space<vmem>>, vector<16xf32>,
    "tpu.region"() ({
      %run_scoped3A = tpu.sem_alloc : memref<!tpu.dma_semaphore, #tpu.memory_space<semaphore_mem>>
      %dma_start3A = arith.constant 0 : i32
      %dma_start3A_29 = tpu.memref_slice %arg4[%add3A, %dma_start3A] : memref<32x128xf32, #tpu.memory_space<hbm>> -> memref<1x128xf32, #tpu.memory_space<hbm>>
      %dma_start3A_30 = tpu.memref_squeeze %dma_start3A_29 : memref<1x128xf32, #tpu.memory_space<hbm>> -> memref<128xf32, #tpu.memory_space<hbm>>
      %dma_start3A_31 = arith.constant 0 : i32
      %dma_start3A_32 = tpu.memref_slice %arg4[%add3A, %dma_start3A_31] : memref<32x128xf32, #tpu.memory_space<hbm>> -> memref<1x128xf32, #tpu.memory_space<hbm>>
      %dma_start3A_33 = tpu.memref_squeeze %dma_start3A_32 : memref<1x128xf32, #tpu.memory_space<hbm>> -> memref<128xf32, #tpu.memory_space<hbm>>
      tpu.enqueue_dma source(%arg7 : memref<128xf32, #tpu.memory_space<vmem>>) target(%dma_start3A_33 : memref<128xf32, #tpu.memory_space<hbm>>) target_semaphore(%run_scoped3A : memref<!tpu.dma_semaphore, #tpu.memory_space<semaphore_mem>>)
      %dma_wait3A = arith.constant 0 : i32
      %dma_wait3A_34 = tpu.memref_slice %arg4[%add3A, %dma_wait3A] : memref<32x128xf32, #tpu.memory_space<hbm>> -> memref<1x128xf32, #tpu.memory_space<hbm>>
      %dma_wait3A_35 = tpu.memref_squeeze %dma_wait3A_34 : memref<1x128xf32, #tpu.memory_space<hbm>> -> memref<128xf32, #tpu.memory_space<hbm>>
      %dma_wait3A_36 = arith.constant 0 : i32
      %dma_wait3A_37 = tpu.memref_slice %arg4[%add3A, %dma_wait3A_36] : memref<32x128xf32, #tpu.memory_space<hbm>> -> memref<1x128xf32, #tpu.memory_space<hbm>>
      %dma_wait3A_38 = tpu.memref_squeeze %dma_wait3A_37 : memref<1x128xf32, #tpu.memory_space<hbm>> -> memref<128xf32, #tpu.memory_space<hbm>>
      tpu.wait_dma2 semaphore(%run_scoped3A : memref<!tpu.dma_semaphore, #tpu.memory_space<semaphore_mem>>) src(%arg7 : memref<128xf32, #tpu.memory_space<vmem>>) dst(%dma_wait3A_38 : memref<128xf32, #tpu.memory_space<hbm>>)
      tpu.yield
    }) : () -> ()
    return
  }
}

module attributes {stable_mosaic.version = 14 : i64} {
  func.func @_tc_body(%arg0: i32, %arg1: memref<2x1x512x512xf32, #tpu.memory_space<vmem>>, %arg2: memref<2x1x512x512xi32, #tpu.memory_space<vmem>>, %arg3: memref<5x512xf32, #tpu.memory_space<vmem>>) attributes {dimension_semantics = [#tpu.dimension_semantics<arbitrary>], iteration_bounds = array<i64: 8>, scalar_prefetch = 0 : i64, scratch_operands = 0 : i64, tpu.core_type = #tpu.core_type<tc>, window_params = [{transform_indices = @transform_0, window_bounds = array<i64: 2, 1, 512, 512>}, {transform_indices = @transform_1, window_bounds = array<i64: 2, 1, 512, 512>}, {pipeline_mode = #tpu.pipeline_mode<synchronous>, transform_indices = @transform_2, window_bounds = array<i64: 5, 512>}]} {
    %get3A = arith.constant 0 : index
    %get3A_0 = arith.constant 0 : index
    %get3A_1 = arith.constant 0 : index
    %get3A_2 = arith.constant 0 : index
    %get3A_3 = vector.load %arg1[%get3A, %get3A_0, %get3A_1, %get3A_2] : memref<2x1x512x512xf32, #tpu.memory_space<vmem>>, vector<2x1x512x512xf32>
    %reshape3A = vector.shape_cast %get3A_3 : vector<2x1x512x512xf32> to vector<1024x512xf32>
    %get3A_4 = arith.constant 0 : index
    %get3A_5 = arith.constant 0 : index
    %get3A_6 = arith.constant 0 : index
    %get3A_7 = arith.constant 0 : index
    %get3A_8 = vector.load %arg2[%get3A_4, %get3A_5, %get3A_6, %get3A_7] : memref<2x1x512x512xi32, #tpu.memory_space<vmem>>, vector<2x1x512x512xi32>
    %reshape3A_9 = vector.shape_cast %get3A_8 : vector<2x1x512x512xi32> to vector<1024x512xi32>
    %ne3A = arith.constant 0 : i32
    %ne3A_10 = vector.broadcast %ne3A : i32 to vector<1024x512xi32>
    %ne3A_11 = arith.cmpi ne, %reshape3A_9, %ne3A_10 : vector<1024x512xi32>
    %convert_element_type3A = arith.extui %ne3A_11 : vector<1024x512xi1> to vector<1024x512xi32>
    %convert_element_type3A_12 = arith.sitofp %convert_element_type3A : vector<1024x512xi32> to vector<1024x512xf32>
    %mul3A = arith.mulf %reshape3A, %convert_element_type3A_12 : vector<1024x512xf32>
    %mul3A_13 = arith.mulf %reshape3A, %reshape3A : vector<1024x512xf32>
    %mul3A_14 = arith.mulf %mul3A_13, %convert_element_type3A_12 : vector<1024x512xf32>
    %reduce_sum3A = arith.constant dense<0.000000e+00> : vector<512xf32>
    %reduce_sum3A_15 = vector.multi_reduction <add>, %convert_element_type3A_12, %reduce_sum3A [0] : vector<1024x512xf32> to vector<512xf32>
    %broadcast_in_dim3A = vector.shape_cast %reduce_sum3A_15 : vector<512xf32> to vector<1x512xf32>
    %reduce_sum3A_16 = arith.constant dense<0.000000e+00> : vector<512xf32>
    %reduce_sum3A_17 = vector.multi_reduction <add>, %mul3A, %reduce_sum3A_16 [0] : vector<1024x512xf32> to vector<512xf32>
    %broadcast_in_dim3A_18 = vector.shape_cast %reduce_sum3A_17 : vector<512xf32> to vector<1x512xf32>
    %reduce_sum3A_19 = arith.constant dense<0.000000e+00> : vector<512xf32>
    %reduce_sum3A_20 = vector.multi_reduction <add>, %mul3A_14, %reduce_sum3A_19 [0] : vector<1024x512xf32> to vector<512xf32>
    %broadcast_in_dim3A_21 = vector.shape_cast %reduce_sum3A_20 : vector<512xf32> to vector<1x512xf32>
    %reduce_sum3A_22 = arith.constant dense<0.000000e+00> : vector<512xf32>
    %reduce_sum3A_23 = vector.multi_reduction <add>, %reshape3A, %reduce_sum3A_22 [0] : vector<1024x512xf32> to vector<512xf32>
    %broadcast_in_dim3A_24 = vector.shape_cast %reduce_sum3A_23 : vector<512xf32> to vector<1x512xf32>
    %reduce_sum3A_25 = arith.constant dense<0.000000e+00> : vector<512xf32>
    %reduce_sum3A_26 = vector.multi_reduction <add>, %mul3A_13, %reduce_sum3A_25 [0] : vector<1024x512xf32> to vector<512xf32>
    %broadcast_in_dim3A_27 = vector.shape_cast %reduce_sum3A_26 : vector<512xf32> to vector<1x512xf32>
    %concatenate3A = tpu.concatenate %broadcast_in_dim3A, %broadcast_in_dim3A_18, %broadcast_in_dim3A_21, %broadcast_in_dim3A_24, %broadcast_in_dim3A_27 in 0 : vector<1x512xf32>, vector<1x512xf32>, vector<1x512xf32>, vector<1x512xf32>, vector<1x512xf32> -> vector<5x512xf32>
    %eq3A = arith.constant 0 : i32
    %eq3A_28 = arith.cmpi eq, %arg0, %eq3A : i32
    %convert_element_type3A_29 = arith.extui %eq3A_28 : i1 to i32
    %cond3A = arith.constant 0 : i32
    %cond3A_30 = arith.cmpi ne, %convert_element_type3A_29, %cond3A : i32
    scf.if %cond3A_30 {
      %swap3A = arith.constant 0 : index
      %swap3A_36 = arith.constant 0 : index
      %swap3A_37 = vector.load %arg3[%swap3A, %swap3A_36] : memref<5x512xf32, #tpu.memory_space<vmem>>, vector<5x512xf32>
      tpu.vector_store %arg3[%swap3A, %swap3A_36], %concatenate3A {strides = array<i32>} : memref<5x512xf32, #tpu.memory_space<vmem>>, vector<5x512xf32>,
    } else {
    }
    %ne3A_31 = arith.constant 0 : i32
    %ne3A_32 = arith.cmpi ne, %arg0, %ne3A_31 : i32
    %convert_element_type3A_33 = arith.extui %ne3A_32 : i1 to i32
    %cond3A_34 = arith.constant 0 : i32
    %cond3A_35 = arith.cmpi ne, %convert_element_type3A_33, %cond3A_34 : i32
    scf.if %cond3A_35 {
      %get3A_36 = arith.constant 0 : index
      %get3A_37 = arith.constant 0 : index
      %get3A_38 = vector.load %arg3[%get3A_36, %get3A_37] : memref<5x512xf32, #tpu.memory_space<vmem>>, vector<5x512xf32>
      %add3A = arith.addf %get3A_38, %concatenate3A : vector<5x512xf32>
      %swap3A = arith.constant 0 : index
      %swap3A_39 = arith.constant 0 : index
      %swap3A_40 = vector.load %arg3[%swap3A, %swap3A_39] : memref<5x512xf32, #tpu.memory_space<vmem>>, vector<5x512xf32>
      tpu.vector_store %arg3[%swap3A, %swap3A_39], %add3A {strides = array<i32>} : memref<5x512xf32, #tpu.memory_space<vmem>>, vector<5x512xf32>,
    } else {
    }
    return
  }
  func.func @transform_0(%arg0: i32) -> (i32, i32, i32, i32) {
    %add3A = arith.constant 0 : i32
    %add3A_0 = arith.addi %add3A, %arg0 : i32
    %c0_i32 = arith.constant 0 : i32
    %c0_i32_1 = arith.constant 0 : i32
    %c0_i32_2 = arith.constant 0 : i32
    %c0_i32_3 = arith.constant 0 : i32
    return %add3A_0, %c0_i32, %c0_i32_1, %c0_i32_2 : i32, i32, i32, i32
  }
  func.func @transform_1(%arg0: i32) -> (i32, i32, i32, i32) {
    %add3A = arith.constant 0 : i32
    %add3A_0 = arith.addi %add3A, %arg0 : i32
    %c0_i32 = arith.constant 0 : i32
    %c0_i32_1 = arith.constant 0 : i32
    %c0_i32_2 = arith.constant 0 : i32
    %c0_i32_3 = arith.constant 0 : i32
    return %add3A_0, %c0_i32, %c0_i32_1, %c0_i32_2 : i32, i32, i32, i32
  }
  func.func @transform_2(%arg0: i32) -> (i32, i32) {
    %c0_i32 = arith.constant 0 : i32
    %c0_i32_0 = arith.constant 0 : i32
    %c0_i32_1 = arith.constant 0 : i32
    return %c0_i32, %c0_i32_0 : i32, i32
  }
}

module attributes {stable_mosaic.version = 14 : i64} {
  func.func @_fin_body(%arg0: memref<32x128xf32, #tpu.memory_space<vmem>>, %arg1: memref<5x512xf32, #tpu.memory_space<vmem>>, %arg2: memref<1xf32, #tpu.memory_space<smem>>) attributes {dimension_semantics = [], scalar_prefetch = 0 : i64, scratch_operands = 0 : i64, tpu.core_type = #tpu.core_type<tc>} {
    %get3A = arith.constant 0 : index
    %get3A_0 = arith.constant 0 : index
    %get3A_1 = vector.load %arg0[%get3A, %get3A_0] : memref<32x128xf32, #tpu.memory_space<vmem>>, vector<32x128xf32>
    %get3A_2 = arith.constant 0 : index
    %get3A_3 = arith.constant 0 : index
    %get3A_4 = vector.load %arg1[%get3A_2, %get3A_3] : memref<5x512xf32, #tpu.memory_space<vmem>>, vector<5x512xf32>
    %slice3A = vector.extract_strided_slice %get3A_1 {offsets = [0, 0], sizes = [32, 16], strides = [1, 1]} : vector<32x128xf32> to vector<32x16xf32>
    %reduce_sum3A = vector.shape_cast %slice3A : vector<32x16xf32> to vector<1x32x16xf32>
    %reduce_sum3A_5 = arith.constant dense<0.000000e+00> : vector<1xf32>
    %reduce_sum3A_6 = vector.multi_reduction <add>, %reduce_sum3A, %reduce_sum3A_5 [1, 2] : vector<1x32x16xf32> to vector<1xf32>
    %reduce_sum3A_7 = vector.shape_cast %reduce_sum3A_6 : vector<1xf32> to vector<1x1x1xf32>
    %reduce_sum3A_8 = vector.extract %reduce_sum3A_7[0, 0, 0] : f32 from vector<1x1x1xf32>
    %slice3A_9 = vector.extract_strided_slice %get3A_4 {offsets = [0, 0], sizes = [1, 512], strides = [1, 1]} : vector<5x512xf32> to vector<1x512xf32>
    %reduce_sum3A_10 = vector.shape_cast %slice3A_9 : vector<1x512xf32> to vector<1x1x512xf32>
    %reduce_sum3A_11 = arith.constant dense<0.000000e+00> : vector<1xf32>
    %reduce_sum3A_12 = vector.multi_reduction <add>, %reduce_sum3A_10, %reduce_sum3A_11 [1, 2] : vector<1x1x512xf32> to vector<1xf32>
    %reduce_sum3A_13 = vector.shape_cast %reduce_sum3A_12 : vector<1xf32> to vector<1x1x1xf32>
    %reduce_sum3A_14 = vector.extract %reduce_sum3A_13[0, 0, 0] : f32 from vector<1x1x1xf32>
    %add3A = arith.addf %reduce_sum3A_8, %reduce_sum3A_14 : f32
    %slice3A_15 = vector.extract_strided_slice %get3A_1 {offsets = [0, 16], sizes = [32, 16], strides = [1, 1]} : vector<32x128xf32> to vector<32x16xf32>
    %reduce_sum3A_16 = vector.shape_cast %slice3A_15 : vector<32x16xf32> to vector<1x32x16xf32>
    %reduce_sum3A_17 = arith.constant dense<0.000000e+00> : vector<1xf32>
    %reduce_sum3A_18 = vector.multi_reduction <add>, %reduce_sum3A_16, %reduce_sum3A_17 [1, 2] : vector<1x32x16xf32> to vector<1xf32>
    %reduce_sum3A_19 = vector.shape_cast %reduce_sum3A_18 : vector<1xf32> to vector<1x1x1xf32>
    %reduce_sum3A_20 = vector.extract %reduce_sum3A_19[0, 0, 0] : f32 from vector<1x1x1xf32>
    %slice3A_21 = vector.extract_strided_slice %get3A_4 {offsets = [1, 0], sizes = [1, 512], strides = [1, 1]} : vector<5x512xf32> to vector<1x512xf32>
    %reduce_sum3A_22 = vector.shape_cast %slice3A_21 : vector<1x512xf32> to vector<1x1x512xf32>
    %reduce_sum3A_23 = arith.constant dense<0.000000e+00> : vector<1xf32>
    %reduce_sum3A_24 = vector.multi_reduction <add>, %reduce_sum3A_22, %reduce_sum3A_23 [1, 2] : vector<1x1x512xf32> to vector<1xf32>
    %reduce_sum3A_25 = vector.shape_cast %reduce_sum3A_24 : vector<1xf32> to vector<1x1x1xf32>
    %reduce_sum3A_26 = vector.extract %reduce_sum3A_25[0, 0, 0] : f32 from vector<1x1x1xf32>
    %add3A_27 = arith.addf %reduce_sum3A_20, %reduce_sum3A_26 : f32
    %slice3A_28 = vector.extract_strided_slice %get3A_1 {offsets = [0, 32], sizes = [32, 16], strides = [1, 1]} : vector<32x128xf32> to vector<32x16xf32>
    %reduce_sum3A_29 = vector.shape_cast %slice3A_28 : vector<32x16xf32> to vector<1x32x16xf32>
    %reduce_sum3A_30 = arith.constant dense<0.000000e+00> : vector<1xf32>
    %reduce_sum3A_31 = vector.multi_reduction <add>, %reduce_sum3A_29, %reduce_sum3A_30 [1, 2] : vector<1x32x16xf32> to vector<1xf32>
    %reduce_sum3A_32 = vector.shape_cast %reduce_sum3A_31 : vector<1xf32> to vector<1x1x1xf32>
    %reduce_sum3A_33 = vector.extract %reduce_sum3A_32[0, 0, 0] : f32 from vector<1x1x1xf32>
    %slice3A_34 = vector.extract_strided_slice %get3A_4 {offsets = [2, 0], sizes = [1, 512], strides = [1, 1]} : vector<5x512xf32> to vector<1x512xf32>
    %reduce_sum3A_35 = vector.shape_cast %slice3A_34 : vector<1x512xf32> to vector<1x1x512xf32>
    %reduce_sum3A_36 = arith.constant dense<0.000000e+00> : vector<1xf32>
    %reduce_sum3A_37 = vector.multi_reduction <add>, %reduce_sum3A_35, %reduce_sum3A_36 [1, 2] : vector<1x1x512xf32> to vector<1xf32>
    %reduce_sum3A_38 = vector.shape_cast %reduce_sum3A_37 : vector<1xf32> to vector<1x1x1xf32>
    %reduce_sum3A_39 = vector.extract %reduce_sum3A_38[0, 0, 0] : f32 from vector<1x1x1xf32>
    %add3A_40 = arith.addf %reduce_sum3A_33, %reduce_sum3A_39 : f32
    %slice3A_41 = vector.extract_strided_slice %get3A_1 {offsets = [0, 48], sizes = [32, 16], strides = [1, 1]} : vector<32x128xf32> to vector<32x16xf32>
    %reduce_sum3A_42 = vector.shape_cast %slice3A_41 : vector<32x16xf32> to vector<1x32x16xf32>
    %reduce_sum3A_43 = arith.constant dense<0.000000e+00> : vector<1xf32>
    %reduce_sum3A_44 = vector.multi_reduction <add>, %reduce_sum3A_42, %reduce_sum3A_43 [1, 2] : vector<1x32x16xf32> to vector<1xf32>
    %reduce_sum3A_45 = vector.shape_cast %reduce_sum3A_44 : vector<1xf32> to vector<1x1x1xf32>
    %reduce_sum3A_46 = vector.extract %reduce_sum3A_45[0, 0, 0] : f32 from vector<1x1x1xf32>
    %slice3A_47 = vector.extract_strided_slice %get3A_4 {offsets = [3, 0], sizes = [1, 512], strides = [1, 1]} : vector<5x512xf32> to vector<1x512xf32>
    %reduce_sum3A_48 = vector.shape_cast %slice3A_47 : vector<1x512xf32> to vector<1x1x512xf32>
    %reduce_sum3A_49 = arith.constant dense<0.000000e+00> : vector<1xf32>
    %reduce_sum3A_50 = vector.multi_reduction <add>, %reduce_sum3A_48, %reduce_sum3A_49 [1, 2] : vector<1x1x512xf32> to vector<1xf32>
    %reduce_sum3A_51 = vector.shape_cast %reduce_sum3A_50 : vector<1xf32> to vector<1x1x1xf32>
    %reduce_sum3A_52 = vector.extract %reduce_sum3A_51[0, 0, 0] : f32 from vector<1x1x1xf32>
    %add3A_53 = arith.addf %reduce_sum3A_46, %reduce_sum3A_52 : f32
    %slice3A_54 = vector.extract_strided_slice %get3A_1 {offsets = [0, 64], sizes = [32, 16], strides = [1, 1]} : vector<32x128xf32> to vector<32x16xf32>
    %reduce_sum3A_55 = vector.shape_cast %slice3A_54 : vector<32x16xf32> to vector<1x32x16xf32>
    %reduce_sum3A_56 = arith.constant dense<0.000000e+00> : vector<1xf32>
    %reduce_sum3A_57 = vector.multi_reduction <add>, %reduce_sum3A_55, %reduce_sum3A_56 [1, 2] : vector<1x32x16xf32> to vector<1xf32>
    %reduce_sum3A_58 = vector.shape_cast %reduce_sum3A_57 : vector<1xf32> to vector<1x1x1xf32>
    %reduce_sum3A_59 = vector.extract %reduce_sum3A_58[0, 0, 0] : f32 from vector<1x1x1xf32>
    %slice3A_60 = vector.extract_strided_slice %get3A_4 {offsets = [4, 0], sizes = [1, 512], strides = [1, 1]} : vector<5x512xf32> to vector<1x512xf32>
    %reduce_sum3A_61 = vector.shape_cast %slice3A_60 : vector<1x512xf32> to vector<1x1x512xf32>
    %reduce_sum3A_62 = arith.constant dense<0.000000e+00> : vector<1xf32>
    %reduce_sum3A_63 = vector.multi_reduction <add>, %reduce_sum3A_61, %reduce_sum3A_62 [1, 2] : vector<1x1x512xf32> to vector<1xf32>
    %reduce_sum3A_64 = vector.shape_cast %reduce_sum3A_63 : vector<1xf32> to vector<1x1x1xf32>
    %reduce_sum3A_65 = vector.extract %reduce_sum3A_64[0, 0, 0] : f32 from vector<1x1x1xf32>
    %add3A_66 = arith.addf %reduce_sum3A_59, %reduce_sum3A_65 : f32
    %sub3A = arith.constant 0x4A800000 : f32
    %sub3A_67 = arith.subf %sub3A, %add3A : f32
    %sub3A_68 = arith.subf %add3A_53, %add3A_27 : f32
    %sub3A_69 = arith.subf %add3A_66, %add3A_40 : f32
    %div3A = arith.divf %add3A_27, %add3A : f32
    %mul3A = arith.mulf %add3A_27, %div3A : f32
    %sub3A_70 = arith.subf %add3A_40, %mul3A : f32
    %sub3A_71 = arith.constant 1.000000e+00 : f32
    %sub3A_72 = arith.subf %add3A, %sub3A_71 : f32
    %div3A_73 = arith.divf %sub3A_70, %sub3A_72 : f32
    %div3A_74 = arith.divf %sub3A_68, %sub3A_67 : f32
    %div3A_75 = arith.divf %sub3A_68, %sub3A_67 : f32
    %mul3A_76 = arith.mulf %sub3A_68, %div3A_75 : f32
    %sub3A_77 = arith.subf %sub3A_69, %mul3A_76 : f32
    %sub3A_78 = arith.constant 1.000000e+00 : f32
    %sub3A_79 = arith.subf %sub3A_67, %sub3A_78 : f32
    %div3A_80 = arith.divf %sub3A_77, %sub3A_79 : f32
    %sub3A_81 = arith.constant 8.000000e-01 : f32
    %sub3A_82 = arith.subf %sub3A_81, %div3A : f32
    %max3A = arith.constant 0.000000e+00 : f32
    %max3A_83 = arith.maximumf %sub3A_82, %max3A : f32
    %mul3A_84 = arith.constant 1.000000e-01 : f32
    %mul3A_85 = arith.mulf %mul3A_84, %div3A_73 : f32
    %add3A_86 = arith.addf %max3A_83, %mul3A_85 : f32
    %add3A_87 = arith.addf %add3A_86, %div3A_74 : f32
    %mul3A_88 = arith.constant 1.000000e+00 : f32
    %mul3A_89 = arith.mulf %mul3A_88, %div3A_80 : f32
    %add3A_90 = arith.addf %add3A_87, %mul3A_89 : f32
    %swap3A = arith.constant 0 : index
    %swap3A_91 = memref.load %arg2[%swap3A] : memref<1xf32, #tpu.memory_space<smem>>
    memref.store %add3A_90, %arg2[%swap3A] : memref<1xf32, #tpu.memory_space<smem>>
    return
  }
}

</mosaic_0001>

<sc_bundles>
// kernel: kernel.5.cloned.1.call-start
scs
__scs_entry_jumppad:
0x0: {  	(pc) =	sbr.rel $0x88, $3  }
0x1: {  	(tag) =	ssettag $0x0;
	lr =	simm.s32 $0x1  }
0x2: {  	[smem:$0x3F9F] =	sst lr;
	_ =	strace $0xD0000000  }
0x3: {  	_ = 	snop  }
0x4: {  	_ = 	snop  }
0x5: {  	_ = 	snop  }
0x6: {  	_ = 	snop  }
0x7: {  	_ = 	snop  }
__scs_overlays_trampoline_lowered:
0x8: {  	[smem:$0x3FAE] =	sst s0  }
0x9: {  	[smem:$0x3FAF] =	sst s1  }
0xa: {  	[smem:$0x3FB0] =	sst s2  }
0xb: {  	[smem:$0x3FB1] =	sst s3  }
0xc: {  	[smem:$0x3FB2] =	sst s4  }
0xd: {  	[smem:$0x3FB3] =	sst s5  }
0xe: {  	[smem:$0x3FB4] =	sst s6  }
0xf: {  	[smem:$0x3FB5] =	sst s7  }
0x10: {  	[smem:$0x3FB6] =	sst s8  }
0x11: {  	[smem:$0x3FB7] =	sst s9;
	s0 =	simm.s32 @!p0 $0x0  }
0x12: {  	s1 =	sld [smem:$0x3F9D];
	s0 =	simm.s32 @p0 $0x1  }
0x13: {  	[smem:$0x3FB8] =	sst s0;
	s0 =	simm.s32 @!p1 $0x0  }
0x14: {  	s2 =	sld [smem:$0x3F9C];
	s0 =	simm.s32 @p1 $0x1  }
0x15: {  	[smem:$0x3FB9] =	sst s0;
	s0 =	simm.s32 @!p2 $0x0  }
0x16: {  	s3 =	sld [smem:$0x3FDB];
	s0 =	simm.s32 @p2 $0x1  }
0x17: {  	s4 =	simm.s32 $0x1BF5;
	[smem:$0x3FBB] =	sst s0  }
0x18: {  	s0 =	sld [smem:$0x3F9E];
	_ =	swait.ge [sflag:s4], $0x0  }
0x19: {  	s7 =	sld [smem:$0x3F9F]  }
0x1a: {  	s8 =	sadd.s32 $0xFFFFE003, lr  }
0x1b: {  	s9 =	sadd.s32 $0xFFFFFEF7, lr;
	s5 =	simm.s32 $0xFFFFFFFF;
	p2 =	slt.u32 s8, $0xFFFFF086  }
0x1c: {  	p1 =	slt.u32 s9, $0xF7A;
	s5 =	simm.s32 @!p2 $0x0  }
0x1d: {  	s5 =	simm.s32 @p1 $0x1;
	p0 =	seq.s32 s7, s2  }
0x1e: {  	s7 =	smul.u32 @!p0 $0xF7A, s2;
	p2 =	seq.s32 @!p0 s5, $0x0  }
0x1f: {  	s9 =	smul.u32 $0xF7A, s1;
	s8 =	simm.s32 @!p0 $0x1BF5;
	p2 =	por !p2, p0  }
0x20: {  	[sflag:s8] =	ssyncset.s32 @!p0 $0xFFFFF086;
	s6 =	sadd.s32 @!p0 s3, s7;
	s7 =	simm.s32 @!p0 $0x108  }
0x21: {  	s3 =	sadd.s32 s3, s9;
	s6 =	sadd.s32 @!p0 $0x88, s6;
	s7 =	simm.s32 @p2 $0x1082  }
0x22: {  	[simem:s7], [sflag:s8] =	dma.local @!p0 [hbm:s6], $0xF7A  }
0x23: {  	s9 =	sor.u32 $0xD0000000, s2;
	s6 =	simm.s32 $0x108;
	_ =	swait.ge @!p0 [sflag:s8], $0x0  }
0x24: {  	s3 =	sadd.s32 $0x88, s3;
	s6 =	simm.s32 @!p1 $0x1082;
	[sflag:s4] =	ssyncset.s32 $0xFFFFF086  }
0x25: {  	[simem:s6], [sflag:s4] =	dma.local [hbm:s3], $0xF7A  }
0x26: {  	[smem:$0x3F9F] =	sst s1;
	(tag) =	ssettag s2;
	_ =	strace s9  }
0x27: {  	s1 =	sld [smem:$0x3FAF]  }
0x28: {  	s2 =	sld [smem:$0x3FB0]  }
0x29: {  	s4 =	sld [smem:$0x3FB2]  }
0x2a: {  	p0 =	seq.s32 s5, $0x0;
	s5 =	sld [smem:$0x3FB3]  }
0x2b: {  	s6 =	sld [smem:$0x3FB4]  }
0x2c: {  	s7 =	sld [smem:$0x3FB5]  }
0x2d: {  	s3 =	simm.s32 $0x108;
	s8 =	sld [smem:$0x3FB6]  }
0x2e: {  	s3 =	simm.s32 @!p0 $0x1082;
	s9 =	sld [smem:$0x3FB7]  }
0x2f: {  	lr =	sadd.s32 s0, s3;
	s0 =	sld [smem:$0x3FAE]  }
0x30: {  	s3 =	sld [smem:$0x3FB1]  }
0x31: {  	[smem:$0x3FBA] =	sst s10  }
0x32: {  	s10 =	sld [smem:$0x3FB8];
	_ =	sdelay $0x3  }
0x33: {  	p0 =	seq.s32 s10, $0x1;
	s10 =	sld [smem:$0x3FBA];
	_ =	sdelay $0x3  }
0x34: {  	[smem:$0x3FBA] =	sst s10  }
0x35: {  	s10 =	sld [smem:$0x3FB9];
	_ =	sdelay $0x3  }
0x36: {  	p1 =	seq.s32 s10, $0x1;
	s10 =	sld [smem:$0x3FBA];
	_ =	sdelay $0x3  }
0x37: {  	[smem:$0x3FBA] =	sst s10  }
0x38: {  	s10 =	sld [smem:$0x3FBB]  }
0x39: {  	_ = 	snop;
	(pc) =	sbr.ind lr, $3  }
0x3a: {  	_ = 	snop  }
0x3b: {  	_ = 	snop  }
0x3c: {  	p2 =	seq.s32 s10, $0x1;
	s10 =	sld [smem:$0x3FBA]  }
0x3d: {  	_ =	shalt  }
0x3e: {  	_ =	shalt  }
0x3f: {  	_ =	shalt  }
0x40: {  	_ =	shalt  }
0x41: {  	_ =	shalt  }
0x42: {  	_ =	shalt  }
0x43: {  	_ =	shalt  }
0x44: {  	_ =	shalt  }
0x45: {  	_ =	shalt  }
0x46: {  	_ =	shalt  }
0x47: {  	_ =	shalt  }
0x48: {  	_ =	shalt  }
0x49: {  	_ =	shalt  }
0x4a: {  	_ =	shalt  }
0x4b: {  	_ =	shalt  }
0x4c: {  	_ =	shalt  }
0x4d: {  	_ =	shalt  }
0x4e: {  	_ =	shalt  }
0x4f: {  	_ =	shalt  }
0x50: {  	_ =	shalt  }
0x51: {  	_ =	shalt  }
0x52: {  	_ =	shalt  }
0x53: {  	_ =	shalt  }
0x54: {  	_ =	shalt  }
0x55: {  	_ =	shalt  }
0x56: {  	_ =	shalt  }
0x57: {  	_ =	shalt  }
0x58: {  	_ =	shalt  }
0x59: {  	_ =	shalt  }
0x5a: {  	_ =	shalt  }
0x5b: {  	_ =	shalt  }
0x5c: {  	_ =	shalt  }
0x5d: {  	_ =	shalt  }
0x5e: {  	_ =	shalt  }
0x5f: {  	_ =	shalt  }
0x60: {  	_ =	shalt  }
0x61: {  	_ =	shalt  }
0x62: {  	_ =	shalt  }
0x63: {  	_ =	shalt  }
0x64: {  	_ =	shalt  }
0x65: {  	_ =	shalt  }
0x66: {  	_ =	shalt  }
0x67: {  	_ =	shalt  }
0x68: {  	_ =	shalt  }
0x69: {  	_ =	shalt  }
0x6a: {  	_ =	shalt  }
0x6b: {  	_ =	shalt  }
0x6c: {  	_ =	shalt  }
0x6d: {  	_ =	shalt  }
0x6e: {  	_ =	shalt  }
0x6f: {  	_ =	shalt  }
0x70: {  	_ =	shalt  }
0x71: {  	_ =	shalt  }
0x72: {  	_ =	shalt  }
0x73: {  	_ =	shalt  }
0x74: {  	_ =	shalt  }
0x75: {  	_ =	shalt  }
0x76: {  	_ =	shalt  }
0x77: {  	_ =	shalt  }
0x78: {  	_ =	shalt  }
0x79: {  	_ =	shalt  }
0x7a: {  	_ =	shalt  }
0x7b: {  	_ =	shalt  }
0x7c: {  	_ =	shalt  }
0x7d: {  	_ =	shalt  }
0x7e: {  	_ =	shalt  }
0x7f: {  	_ =	shalt  }
0x80: {  	_ =	shalt  }
0x81: {  	_ =	shalt  }
0x82: {  	_ =	shalt  }
0x83: {  	_ =	shalt  }
0x84: {  	_ =	shalt  }
0x85: {  	_ =	shalt  }
0x86: {  	_ =	shalt  }
0x87: {  	_ =	shalt  }
.Lfunc_end0:
.L_simem_size_0:
called_computation_lowered:
.L_overlay_start_0:
0x88: {  	s2 =	sld [smem:$0x3FD9]  }
0x89: {  	s3 =	sld [smem:$0x3FFE];
	_ =	sdelay $0x1  }
0x8a: {  	s1 =	srdreg.scid  }
0x8b: {  	s0 =	sand.u32 $0x1, s1  }
0x8c: {  	s16 =	sshll.u32 s0, $0xA;
	s2 =	sadd.s32 s3, s2  }
0x8d: {  	s2 =	sadd.s32 s2, s16  }
0x8e: {  	[smem:$0x3FC6] =	sst s2  }
0x8f: {  	_ = 	snop  }
0x90: {  	(tm) =	ssettm $0x1  }
0x91: {  	s17 =	sld [smem:$0x3FFB];
	_ =	sdelay $0x3  }
0x92: {  	_ =	strace s17  }
0x93: {  	s2 =	sld [smem:$0x3FFC];
	_ =	sdelay $0x3  }
0x94: {  	_ =	strace s2  }
0x95: {  	s2 =	sld [smem:$0x3FFD];
	_ =	sdelay $0x3  }
0x96: {  	_ =	strace s2  }
0x97: {  	_ =	strace $0x8FFFFFFF  }
0x98: {  	s18 =	sld [smem:$0x3FDB];
	_ =	sdelay $0x1  }
0x99: {  	s19 =	simm.s32 $_scs_section_size  }
0x9a: {  	s4 =	simm.s32 $_size__tile_overlayer_lowered;
	s5 =	simm.s32 $_tile_overlayer_lowered  }
0x9b: {  	s22 =	simm.s32 $0x1BFF;
	s21 =	sshll.u32 s5, $0x1;
	s2 =	sadd.s32 s19, s18  }
0x9c: {  	s6 =	simm.s32 $0x0;
	s20 =	sshll.u32 s4, $0x1;
	s4 =	sadd.s32 s21, s2  }
0x9d: {  	[timem:s6], [sflag:s22] =	dma.local [hbm:s4], s20  }
0x9e: {  	_ =	swait.ge [sflag:s22], s20  }
0x9f: {  	s3 =	ssub.s32 $0x0, s20;
	[sflag:s22] =	ssyncset.done $0x0  }
0xa0: {  	[sflag:s22] =	ssyncadd.s32 s3;
	_ =	sdelay $0x1  }
0xa1: {  	s23 =	simm.s32 $0x1B8B  }
0xa2: {  	_ =	swait.ge [sflag:s23], $0x1  }
0xa3: {  	[sflag:s23] =	ssyncset.done $0x0  }
0xa4: {  	s25 =	simm.s32 $0x1B8E;
	s24 =	sld [smem:$0x3FFE];
	[sflag:s23] =	ssyncadd.s32 $0xFFFFFFFF  }
0xa5: {  	s26 =	simm.s32 $execute0_lowered;
	[smem:$0x3FD2] =	sst s25  }
0xa6: {  	s4 =	sshll.u32 s26, $0x1;
	_ =	strace $0x80000046;
	[dreg:$0x1] =	wrdreg $0xFFFFFFFF  }
0xa7: {  	s28 =	simm.s32 $_size_execute0_lowered;
	s2 =	sadd.s32 s2, s4;
	[dreg:$0x0] =	wrdreg $0x0  }
0xa8: {  	s4 =	sshll.u32 s28, $0x1;
	[dreg:$0x2] =	wrdreg s2  }
0xa9: {  	[dreg:$0x3] =	wrdreg s4  }
0xaa: {  	[dreg:$0x4] =	wrdreg $0xC0  }
0xab: {  	_ =	task [dreg:s6], $0x5FFFF  }
0xac: {  	[dreg:$0x1] =	wrdreg $0xFFFFFFFF  }
0xad: {  	[dreg:$0x0] =	wrdreg $0x60  }
0xae: {  	[dreg:$0x2] =	wrdreg s24  }
0xaf: {  	[dreg:$0x3] =	wrdreg $0x9  }
0xb0: {  	_ =	task.clear_ibuf [dreg:s6], $0x4FFFF;
	_ =	strace $0x90000046  }
0xb1: {  	s29 =	simm.s32 $0x9;
	_ =	strace $0x80000048  }
0xb2: {  	_ =	swait.ge [sflag:s29], $0x1  }
0xb3: {  	[sflag:s29] =	ssyncadd.s32 $0xFFFFFFFF  }
0xb4: {  	_ =	strace $0x90000048  }
0xb5: {  	_ =	sfence  }
0xb6: {  	s30 =	sld [smem:$0x0];
	_ =	sdelay $0x2  }
0xb7: {  	s31 =	sshll.u32 s1, $0xD;
	s1 =	sshrl.u32 s1, $0x2  }
0xb8: {  	s3 =	sand.u32 $0x4000, s31;
	s1 =	sadd.s32 s1, s30  }
0xb9: {  	s0 =	sor.u32 s3, s0;
	s1 =	sshll.u32 s1, $0x11  }
0xba: {  	s0 =	sor.u32 s1, s0  }
0xbb: {  	s0 =	sadd.s32 $0x8F2B, s0  }
0xbc: {  	[sflag:s0] =	ssyncadd.remote.s32 $0x1  }
0xbd: {  	_ =	sfence.sel $0xFFFF  }
0xbe: {  	[dreg:$0x0] =	wrdreg $0xFFFFFFFF;
	(pc) =	sbr.abs _section_cstart, $3  }
0xbf: {  	[dreg:$0x1] =	wrdreg $0xFFFFFFFF  }
0xc0: {  	_ =	task.clear_ibuf [dreg:s6], $0x2FFFF;
	_ =	strace $0x9FFFFFFF  }
0xc1: {  	(tm) =	ssettm $0x7FFFFFFF  }
tec
execute0_lowered:
.L_overlay_start_1:
0x0: {  	(tag) =	ssettag $0x1  }
0x1: {  	s3 =	rddreg [dreg:$0x0]  }
0x2: {  	s0 =	rddreg [dreg:$0x1];
	s1 =	simm.s32 $0x0;
	s2 =	srdreg.scid  }
0x3: {  	v0 =	vimm.f32 $0.0e+00;
	[smem:$0x7FF] =	sst s1;
	s4 =	sand.u32 $0x1, s2  }
0x4: {  	_ =	strace $0x80000047;
	[tilespmem:$0x50] =	vst v0;
	s5 =	sshll.u32 s4, $0x4;
	s4 =	ssub.s32 $0x2, s4  }
0x5: {  	[tilespmem:$0x40] =	vst v0;
	s31 =	sshrl.u32 s4, $0x1  }
0x6: {  	[tilespmem:$0x30] =	vst v0;
	s4 =	ssub.s32 s4, s31  }
0x7: {  	[tilespmem:$0x20] =	vst v0;
	s3 =	sadd.s32 s5, s3;
	s5 =	smax.u32 s4, $0x1  }
0x8: {  	s2 =	stileid.u32;
	[tilespmem:$0x10] =	vst v0;
	p0 =	sne.s32 s5, $0x1  }
.Ltmp0:
0x9: {  	s6 =	sshll.u32 s2, $0x5;
	[tilespmem:$0x0] =	vst v0;
	(pc) =	sbr.rel @!p0 .LBB2_2-.Ltmp0, $4  }
0xa: {  	[tilespmem:$0x70] =	vst v0;
	s3 =	sadd.s32 s6, s3  }
0xb: {  	[tilespmem:$0x60] =	vst v0;
	s3 =	sadd.s32 $0x800, s3;
	s4 =	simm.s32 $0x1  }
0xc: {  	[hbm4b:s3+s1] =	stream.linear.scatter [tilespmem:s1], [sflag:$0x1], $0x80, $0x38;
	[tilespmem:$0x80] =	vst v63  }
0xd: {  	s5 =	sadd.s32 $0xFFFFFFFF, s5;
	_ =	swait.ge [sflag:s4], $0x80  }
.LBB2_1:
0xe: {  	p0 =	sne.s32 s5, $0x1;
	[sflag:s4] =	ssyncset.done $0x0  }
0xf: {  	[sflag:s4] =	ssyncadd.s32 $0xFFFFFF80  }
0x10: {  	[tilespmem:$0x50] =	vst v0  }
0x11: {  	[tilespmem:$0x40] =	vst v0  }
0x12: {  	[tilespmem:$0x30] =	vst v0  }
0x13: {  	[tilespmem:$0x20] =	vst v0  }
.Ltmp1:
0x14: {  	[tilespmem:$0x10] =	vst v0;
	(pc) =	sbr.rel @p0 .LBB2_1-.Ltmp1, $4  }
0x15: {  	[tilespmem:$0x0] =	vst v0  }
0x16: {  	[tilespmem:$0x70] =	vst v0  }
0x17: {  	[tilespmem:$0x60] =	vst v0;
	[hbm4b:s3+s1] =	stream.linear.scatter [tilespmem:s1], [sflag:$0x1], $0x80, $0x38  }
0x18: {  	s5 =	sadd.s32 $0xFFFFFFFF, s5;
	_ =	swait.ge [sflag:s4], $0x80  }
.LBB2_2:
0x19: {  	[sflag:s4] =	ssyncset.done $0x0  }
0x1a: {  	[sflag:s4] =	ssyncadd.s32 $0xFFFFFF80  }
0x1b: {  	_ =	sfence.sel $0x180000  }
0x1c: {  	[bflag:$0x0] =	sbarrier.arrive $0xFFFF  }
0x1d: {  	p0 =	sne.s32 s2, $0x0;
	_ =	strace $0x90000047  }
0x1e: {  	s0 =	sadd.s32 @!p0 $0x100000, s0;
	[bflag:$0x2] =	sbarrier.arrive $0xFFFF  }
0x1f: {  	[sflag:s0] =	ssyncadd.tile.s32 @!p0 $0x1;
	_ =	shalt  }
.Lfunc_end2:
_tile_overlayer_lowered:
.L_overlay_start_2:
0x20: {  	(tag) =	ssettag $0x2  }
0x21: {  	s0 =	rddreg [dreg:$0x0];
	s2 =	stileid.u32  }
0x22: {  	s1 =	rddreg [dreg:$0x1];
	p0 =	sne.s32 s2, $0x0  }
0x23: {  	s3 =	rddreg [dreg:$0x2];
	[bflag:$0x3] =	sbarrier.arrive $0xFFFF;
	s2 =	simm.s32 @!p0 $0x1C01  }
0x24: {  	[timem:s3], [sflag:s2] =	dma.local @!p0 [hbm:s0], s1  }
0x25: {  	s0 =	simm.s32 @!p0 $0x1  }
0x26: {  	_ =	swait.ge @!p0 [sflag:s0], s1  }
0x27: {  	s1 =	ssub.s32 @!p0 $0x0, s1;
	[sflag:s0] =	ssyncset.done @!p0 $0x0  }
0x28: {  	[sflag:s0] =	ssyncadd.s32 @!p0 s1  }
0x29: {  	[bflag:$0x3] =	sbarrier.arrive $0xFFFF  }
0x2a: {  	_ =	shalt  }

</sc_bundles>
